<compile_context>
chip_gen: v7x
topology: tpu7x:2x2x1
jax: 0.10.2.dev20260603
libtpu: 0.0.44.dev20260713+nightly
codegen_flags: <defaults>
</compile_context>

<pallas_src>
import functools

import jax
import jax.numpy as jnp
from jax import lax
from jax.experimental import pallas as pl
from jax.experimental.pallas import tpu as pltpu
from jax.experimental.pallas import tpu_sc as plsc

_NUM_WORKERS = 32
_CHUNK = 128
_NBUF = 5
_LOOK = 3


def kernel(x, W):
    B, H = x.shape
    V, D = W.shape
    N = B * H
    per_w = N // _NUM_WORKERS
    n_chunks = per_w // _CHUNK
    assert per_w * _NUM_WORKERS == N and n_chunks * _CHUNK == per_w
    assert n_chunks % _NBUF == 0 and n_chunks >= 2 * _NBUF

    xf = x.reshape(_NUM_WORKERS, n_chunks, _CHUNK).astype(jnp.int32)
    mesh = plsc.VectorSubcoreMesh(core_axis_name="c", subcore_axis_name="s")

    @functools.partial(
        pl.kernel,
        mesh=mesh,
        out_type=jax.ShapeDtypeStruct((N, D), jnp.float32),
        scratch_types=(
            [pltpu.VMEM((n_chunks, _CHUNK), jnp.int32)]
            + [pltpu.VMEM((_CHUNK, D), jnp.float32)] * _NBUF
            + [pltpu.SemaphoreType.DMA] * (2 * _NBUF)
        ),
    )
    def _embed(x_hbm, w_hbm, out_hbm, idx_v, *rest):
        bufs = rest[:_NBUF]
        gsems = rest[_NBUF:2 * _NBUF]
        ssems = rest[2 * _NBUF:]
        wid = lax.axis_index("s") * 2 + lax.axis_index("c")
        base = wid * per_w
        pltpu.sync_copy(x_hbm.at[wid], idx_v)

        def gather(c, b):
            return pltpu.make_async_copy(
                w_hbm.at[idx_v.at[c]], bufs[b], gsems[b])

        def scatter(c, b):
            return pltpu.make_async_copy(
                bufs[b], out_hbm.at[pl.ds(base + c * _CHUNK, _CHUNK)],
                ssems[b])

        for b in range(_LOOK):
            gather(b, b).start()

        def body(g, _):
            for b in range(_NBUF):
                c = g * _NBUF + b
                gather(c, b).wait()
                scatter(c, b).start()
                cn = c + _LOOK
                bn = (b + _LOOK) % _NBUF

                @pl.when(cn < n_chunks)
                def _issue():
                    @pl.when(c >= _NBUF - _LOOK)
                    def _drain():
                        scatter(c - (_NBUF - _LOOK), bn).wait()
                    gather(cn, bn).start()
            return ()

        lax.fori_loop(0, n_chunks // _NBUF, body, ())
        for b in range(_NBUF):
            scatter(n_chunks - _NBUF + b, b).wait()

    out = _embed(xf, W)
    return out.reshape(B, H, D)

# --- scband reference (transcript-rebuilt; emitter-appended) ---
"""Pipeline reference for scband-embed-46291157516571 (READ-ONLY COPY).

The authoritative reference and input builder live on the scoring server;
editing this copy changes nothing except your own understanding.
"""

import jax, jax.numpy as jnp
import numpy as np

VOCAB = 100000
EMBED = 128
BATCH = 4096
HIST = 200

def setup_inputs(seed: int = 0) -> dict:
    key = jax.random.key(seed)
    k_idx, k_w = jax.random.split(key)
    x = jax.random.randint(k_idx, (BATCH, HIST), 0, VOCAB, dtype=jnp.int64 if jax.config.jax_enable_x64 else jnp.int32)
    W = jax.random.uniform(k_w, (VOCAB, EMBED), dtype=jnp.float32, minval=-0.1, maxval=0.1)
    return {"x": x, "W": W}

def reference(x, W):
    # Faithful translation of Embed.forward in eval mode (dropout=0):
    # embeddings = self.W[x]
    embeddings = jnp.take(W, x, axis=0)
    return embeddings

if __name__ == "__main__":
    import jax
    _d = setup_inputs()
    print(jax.jit(kernel)(*tuple(_d.values())))

</pallas_src>

<mosaic_0001>
#map = affine_map<(d0, d1) -> (0, 0, 0)>
#map1 = affine_map<(d0, d1) -> (0, 0)>
module attributes {stable_mosaic.version = 14 : i64} {
  func.func @_embed(%arg0: i32, %arg1: i32, %arg2: memref<32x200x128xi32, #tpu.memory_space<hbm>>, %arg3: memref<100000x128xf32, #tpu.memory_space<hbm>>, %arg4: memref<819200x128xf32, #tpu.memory_space<hbm>>, %arg5: memref<200x128xi32, #tpu.memory_space<vmem>>, %arg6: memref<128x128xf32, #tpu.memory_space<vmem>>, %arg7: memref<128x128xf32, #tpu.memory_space<vmem>>, %arg8: memref<128x128xf32, #tpu.memory_space<vmem>>, %arg9: memref<128x128xf32, #tpu.memory_space<vmem>>, %arg10: memref<128x128xf32, #tpu.memory_space<vmem>>, %arg11: memref<!tpu.dma_semaphore, #tpu.memory_space<semaphore_mem>>, %arg12: memref<!tpu.dma_semaphore, #tpu.memory_space<semaphore_mem>>, %arg13: memref<!tpu.dma_semaphore, #tpu.memory_space<semaphore_mem>>, %arg14: memref<!tpu.dma_semaphore, #tpu.memory_space<semaphore_mem>>, %arg15: memref<!tpu.dma_semaphore, #tpu.memory_space<semaphore_mem>>, %arg16: memref<!tpu.dma_semaphore, #tpu.memory_space<semaphore_mem>>, %arg17: memref<!tpu.dma_semaphore, #tpu.memory_space<semaphore_mem>>, %arg18: memref<!tpu.dma_semaphore, #tpu.memory_space<semaphore_mem>>, %arg19: memref<!tpu.dma_semaphore, #tpu.memory_space<semaphore_mem>>, %arg20: memref<!tpu.dma_semaphore, #tpu.memory_space<semaphore_mem>>) attributes {dimension_semantics = [#tpu.dimension_semantics<core_parallel>, #tpu.dimension_semantics<subcore_parallel>], iteration_bounds = array<i64: 2, 16>, scalar_prefetch = 0 : i64, scratch_operands = 16 : i64, tpu.core_type = #tpu.core_type<sc_vector_subcore>, window_params = [{transform_indices = #map}, {transform_indices = #map1}, {transform_indices = #map1}]} {
    %mul3A = arith.constant 2 : i32
    %mul3A_0 = arith.muli %arg1, %mul3A : i32
    %add3A = arith.addi %mul3A_0, %arg0 : i32
    %mul3A_1 = arith.constant 25600 : i32
    %mul3A_2 = arith.muli %add3A, %mul3A_1 : i32
    "tpu.region"() ({
      %run_scoped3A = tpu.sem_alloc : memref<!tpu.dma_semaphore, #tpu.memory_space<semaphore_mem>>
      %dma_start3A_56 = arith.constant 0 : i32
      %dma_start3A_57 = arith.constant 0 : i32
      %dma_start3A_58 = tpu.memref_slice %arg2[%add3A, %dma_start3A_56, %dma_start3A_57] : memref<32x200x128xi32, #tpu.memory_space<hbm>> -> memref<1x200x128xi32, #tpu.memory_space<hbm>>
      %dma_start3A_59 = tpu.memref_squeeze %dma_start3A_58 : memref<1x200x128xi32, #tpu.memory_space<hbm>> -> memref<200x128xi32, #tpu.memory_space<hbm>>
      %dma_start3A_60 = arith.constant 0 : i32
      %dma_start3A_61 = arith.constant 0 : i32
      %dma_start3A_62 = tpu.memref_slice %arg2[%add3A, %dma_start3A_60, %dma_start3A_61] : memref<32x200x128xi32, #tpu.memory_space<hbm>> -> memref<1x200x128xi32, #tpu.memory_space<hbm>>
      %dma_start3A_63 = tpu.memref_squeeze %dma_start3A_62 : memref<1x200x128xi32, #tpu.memory_space<hbm>> -> memref<200x128xi32, #tpu.memory_space<hbm>>
      tpu.enqueue_dma source(%dma_start3A_63 : memref<200x128xi32, #tpu.memory_space<hbm>>) target(%arg5 : memref<200x128xi32, #tpu.memory_space<vmem>>) target_semaphore(%run_scoped3A : memref<!tpu.dma_semaphore, #tpu.memory_space<semaphore_mem>>)
      %dma_wait3A_64 = arith.constant 0 : i32
      %dma_wait3A_65 = arith.constant 0 : i32
      %dma_wait3A_66 = tpu.memref_slice %arg2[%add3A, %dma_wait3A_64, %dma_wait3A_65] : memref<32x200x128xi32, #tpu.memory_space<hbm>> -> memref<1x200x128xi32, #tpu.memory_space<hbm>>
      %dma_wait3A_67 = tpu.memref_squeeze %dma_wait3A_66 : memref<1x200x128xi32, #tpu.memory_space<hbm>> -> memref<200x128xi32, #tpu.memory_space<hbm>>
      %dma_wait3A_68 = arith.constant 0 : i32
      %dma_wait3A_69 = arith.constant 0 : i32
      %dma_wait3A_70 = tpu.memref_slice %arg2[%add3A, %dma_wait3A_68, %dma_wait3A_69] : memref<32x200x128xi32, #tpu.memory_space<hbm>> -> memref<1x200x128xi32, #tpu.memory_space<hbm>>
      %dma_wait3A_71 = tpu.memref_squeeze %dma_wait3A_70 : memref<1x200x128xi32, #tpu.memory_space<hbm>> -> memref<200x128xi32, #tpu.memory_space<hbm>>
      tpu.wait_dma2 semaphore(%run_scoped3A : memref<!tpu.dma_semaphore, #tpu.memory_space<semaphore_mem>>) src(%dma_wait3A_71 : memref<200x128xi32, #tpu.memory_space<hbm>>) dst(%arg5 : memref<200x128xi32, #tpu.memory_space<vmem>>)
      tpu.yield
    }) : () -> ()
    %dma_start3A = arith.constant 0 : i32
    %dma_start3A_3 = arith.constant 0 : i32
    %dma_start3A_4 = tpu.memref_slice %arg5[%dma_start3A, %dma_start3A_3] : memref<200x128xi32, #tpu.memory_space<vmem>> -> memref<1x128xi32, #tpu.memory_space<vmem>>
    %dma_start3A_5 = tpu.memref_squeeze %dma_start3A_4 : memref<1x128xi32, #tpu.memory_space<vmem>> -> memref<128xi32, #tpu.memory_space<vmem>>
    %dma_start3A_6 = arith.constant 0 : i32
    %dma_start3A_7 = arith.constant 0 : i32
    %dma_start3A_8 = tpu.memref_slice %arg3[%dma_start3A_6, %dma_start3A_7] : memref<100000x128xf32, #tpu.memory_space<hbm>> -> memref<100000x128xf32, #tpu.memory_space<hbm>>
    tpu.enqueue_indirect_dma source(%dma_start3A_8 : memref<100000x128xf32, #tpu.memory_space<hbm>>) target(%arg6 : memref<128x128xf32, #tpu.memory_space<vmem>>) offsets(%dma_start3A_5 : memref<128xi32, #tpu.memory_space<vmem>>) semaphore(%arg11 : memref<!tpu.dma_semaphore, #tpu.memory_space<semaphore_mem>>)
    %dma_start3A_9 = arith.constant 1 : i32
    %dma_start3A_10 = arith.constant 0 : i32
    %dma_start3A_11 = tpu.memref_slice %arg5[%dma_start3A_9, %dma_start3A_10] : memref<200x128xi32, #tpu.memory_space<vmem>> -> memref<1x128xi32, #tpu.memory_space<vmem>>
    %dma_start3A_12 = tpu.memref_squeeze %dma_start3A_11 : memref<1x128xi32, #tpu.memory_space<vmem>> -> memref<128xi32, #tpu.memory_space<vmem>>
    %dma_start3A_13 = arith.constant 0 : i32
    %dma_start3A_14 = arith.constant 0 : i32
    %dma_start3A_15 = tpu.memref_slice %arg3[%dma_start3A_13, %dma_start3A_14] : memref<100000x128xf32, #tpu.memory_space<hbm>> -> memref<100000x128xf32, #tpu.memory_space<hbm>>
    tpu.enqueue_indirect_dma source(%dma_start3A_15 : memref<100000x128xf32, #tpu.memory_space<hbm>>) target(%arg7 : memref<128x128xf32, #tpu.memory_space<vmem>>) offsets(%dma_start3A_12 : memref<128xi32, #tpu.memory_space<vmem>>) semaphore(%arg12 : memref<!tpu.dma_semaphore, #tpu.memory_space<semaphore_mem>>)
    %dma_start3A_16 = arith.constant 2 : i32
    %dma_start3A_17 = arith.constant 0 : i32
    %dma_start3A_18 = tpu.memref_slice %arg5[%dma_start3A_16, %dma_start3A_17] : memref<200x128xi32, #tpu.memory_space<vmem>> -> memref<1x128xi32, #tpu.memory_space<vmem>>
    %dma_start3A_19 = tpu.memref_squeeze %dma_start3A_18 : memref<1x128xi32, #tpu.memory_space<vmem>> -> memref<128xi32, #tpu.memory_space<vmem>>
    %dma_start3A_20 = arith.constant 0 : i32
    %dma_start3A_21 = arith.constant 0 : i32
    %dma_start3A_22 = tpu.memref_slice %arg3[%dma_start3A_20, %dma_start3A_21] : memref<100000x128xf32, #tpu.memory_space<hbm>> -> memref<100000x128xf32, #tpu.memory_space<hbm>>
    tpu.enqueue_indirect_dma source(%dma_start3A_22 : memref<100000x128xf32, #tpu.memory_space<hbm>>) target(%arg8 : memref<128x128xf32, #tpu.memory_space<vmem>>) offsets(%dma_start3A_19 : memref<128xi32, #tpu.memory_space<vmem>>) semaphore(%arg13 : memref<!tpu.dma_semaphore, #tpu.memory_space<semaphore_mem>>)
    %scan3A = arith.constant 0 : i32
    %scan3A_23 = arith.constant 40 : i32
    %scan3A_24 = arith.addi %scan3A, %scan3A_23 : i32
    %scan3A_25 = arith.constant 1 : i32
    scf.for %scan3A_56 = %scan3A to %scan3A_24 step %scan3A_25  : i32 {
      %mul3A_57 = arith.constant 5 : i32
      %mul3A_58 = arith.muli %scan3A_56, %mul3A_57 : i32
      %add3A_59 = arith.constant 0 : i32
      %add3A_60 = arith.addi %mul3A_58, %add3A_59 : i32
      %dma_wait3A_61 = arith.constant 0 : i32
      %dma_wait3A_62 = tpu.memref_slice %arg5[%add3A_60, %dma_wait3A_61] : memref<200x128xi32, #tpu.memory_space<vmem>> -> memref<1x128xi32, #tpu.memory_space<vmem>>
      %dma_wait3A_63 = tpu.memref_squeeze %dma_wait3A_62 : memref<1x128xi32, #tpu.memory_space<vmem>> -> memref<128xi32, #tpu.memory_space<vmem>>
      %dma_wait3A_64 = arith.constant 0 : i32
      %dma_wait3A_65 = arith.constant 0 : i32
      %dma_wait3A_66 = tpu.memref_slice %arg3[%dma_wait3A_64, %dma_wait3A_65] : memref<100000x128xf32, #tpu.memory_space<hbm>> -> memref<100000x128xf32, #tpu.memory_space<hbm>>
      tpu.wait_indirect_dma semaphore(%arg11 : memref<!tpu.dma_semaphore, #tpu.memory_space<semaphore_mem>>) src(%dma_wait3A_66 : memref<100000x128xf32, #tpu.memory_space<hbm>>) dst(%arg6 : memref<128x128xf32, #tpu.memory_space<vmem>>)
      %mul3A_67 = arith.constant 128 : i32
      %mul3A_68 = arith.muli %add3A_60, %mul3A_67 : i32
      %add3A_69 = arith.addi %mul3A_2, %mul3A_68 : i32
      %dma_start3A_70 = arith.constant 0 : i32
      %dma_start3A_71 = tpu.memref_slice %arg4[%add3A_69, %dma_start3A_70] : memref<819200x128xf32, #tpu.memory_space<hbm>> -> memref<128x128xf32, #tpu.memory_space<hbm>>
      %dma_start3A_72 = arith.constant 0 : i32
      %dma_start3A_73 = tpu.memref_slice %arg4[%add3A_69, %dma_start3A_72] : memref<819200x128xf32, #tpu.memory_space<hbm>> -> memref<128x128xf32, #tpu.memory_space<hbm>>
      tpu.enqueue_dma source(%arg6 : memref<128x128xf32, #tpu.memory_space<vmem>>) target(%dma_start3A_73 : memref<128x128xf32, #tpu.memory_space<hbm>>) target_semaphore(%arg16 : memref<!tpu.dma_semaphore, #tpu.memory_space<semaphore_mem>>)
      %add3A_74 = arith.constant 3 : i32
      %add3A_75 = arith.addi %add3A_60, %add3A_74 : i32
      %lt3A = arith.constant 200 : i32
      %lt3A_76 = arith.cmpi slt, %add3A_75, %lt3A : i32
      %convert_element_type3A = arith.extui %lt3A_76 : i1 to i32
      %cond3A = arith.constant 0 : i32
      %cond3A_77 = arith.cmpi ne, %convert_element_type3A, %cond3A : i32
      scf.if %cond3A_77 {
        %ge3A = arith.constant 2 : i32
        %ge3A_174 = arith.cmpi sge, %add3A_60, %ge3A : i32
        %convert_element_type3A_175 = arith.extui %ge3A_174 : i1 to i32
        %cond3A_176 = arith.constant 0 : i32
        %cond3A_177 = arith.cmpi ne, %convert_element_type3A_175, %cond3A_176 : i32
        scf.if %cond3A_177 {
          %sub3A = arith.constant 2 : i32
          %sub3A_184 = arith.subi %add3A_60, %sub3A : i32
          %mul3A_185 = arith.constant 128 : i32
          %mul3A_186 = arith.muli %sub3A_184, %mul3A_185 : i32
          %add3A_187 = arith.addi %mul3A_2, %mul3A_186 : i32
          %dma_wait3A_188 = arith.constant 0 : i32
          %dma_wait3A_189 = tpu.memref_slice %arg4[%add3A_187, %dma_wait3A_188] : memref<819200x128xf32, #tpu.memory_space<hbm>> -> memref<128x128xf32, #tpu.memory_space<hbm>>
          %dma_wait3A_190 = arith.constant 0 : i32
          %dma_wait3A_191 = tpu.memref_slice %arg4[%add3A_187, %dma_wait3A_190] : memref<819200x128xf32, #tpu.memory_space<hbm>> -> memref<128x128xf32, #tpu.memory_space<hbm>>
          tpu.wait_dma2 semaphore(%arg19 : memref<!tpu.dma_semaphore, #tpu.memory_space<semaphore_mem>>) src(%arg9 : memref<128x128xf32, #tpu.memory_space<vmem>>) dst(%dma_wait3A_191 : memref<128x128xf32, #tpu.memory_space<hbm>>)
        } else {
        }
        %dma_start3A_178 = arith.constant 0 : i32
        %dma_start3A_179 = tpu.memref_slice %arg5[%add3A_75, %dma_start3A_178] : memref<200x128xi32, #tpu.memory_space<vmem>> -> memref<1x128xi32, #tpu.memory_space<vmem>>
        %dma_start3A_180 = tpu.memref_squeeze %dma_start3A_179 : memref<1x128xi32, #tpu.memory_space<vmem>> -> memref<128xi32, #tpu.memory_space<vmem>>
        %dma_start3A_181 = arith.constant 0 : i32
        %dma_start3A_182 = arith.constant 0 : i32
        %dma_start3A_183 = tpu.memref_slice %arg3[%dma_start3A_181, %dma_start3A_182] : memref<100000x128xf32, #tpu.memory_space<hbm>> -> memref<100000x128xf32, #tpu.memory_space<hbm>>
        tpu.enqueue_indirect_dma source(%dma_start3A_183 : memref<100000x128xf32, #tpu.memory_space<hbm>>) target(%arg9 : memref<128x128xf32, #tpu.memory_space<vmem>>) offsets(%dma_start3A_180 : memref<128xi32, #tpu.memory_space<vmem>>) semaphore(%arg14 : memref<!tpu.dma_semaphore, #tpu.memory_space<semaphore_mem>>)
      } else {
      }
      %mul3A_78 = arith.constant 5 : i32
      %mul3A_79 = arith.muli %scan3A_56, %mul3A_78 : i32
      %add3A_80 = arith.constant 1 : i32
      %add3A_81 = arith.addi %mul3A_79, %add3A_80 : i32
      %dma_wait3A_82 = arith.constant 0 : i32
      %dma_wait3A_83 = tpu.memref_slice %arg5[%add3A_81, %dma_wait3A_82] : memref<200x128xi32, #tpu.memory_space<vmem>> -> memref<1x128xi32, #tpu.memory_space<vmem>>
      %dma_wait3A_84 = tpu.memref_squeeze %dma_wait3A_83 : memref<1x128xi32, #tpu.memory_space<vmem>> -> memref<128xi32, #tpu.memory_space<vmem>>
      %dma_wait3A_85 = arith.constant 0 : i32
      %dma_wait3A_86 = arith.constant 0 : i32
      %dma_wait3A_87 = tpu.memref_slice %arg3[%dma_wait3A_85, %dma_wait3A_86] : memref<100000x128xf32, #tpu.memory_space<hbm>> -> memref<100000x128xf32, #tpu.memory_space<hbm>>
      tpu.wait_indirect_dma semaphore(%arg12 : memref<!tpu.dma_semaphore, #tpu.memory_space<semaphore_mem>>) src(%dma_wait3A_87 : memref<100000x128xf32, #tpu.memory_space<hbm>>) dst(%arg7 : memref<128x128xf32, #tpu.memory_space<vmem>>)
      %mul3A_88 = arith.constant 128 : i32
      %mul3A_89 = arith.muli %add3A_81, %mul3A_88 : i32
      %add3A_90 = arith.addi %mul3A_2, %mul3A_89 : i32
      %dma_start3A_91 = arith.constant 0 : i32
      %dma_start3A_92 = tpu.memref_slice %arg4[%add3A_90, %dma_start3A_91] : memref<819200x128xf32, #tpu.memory_space<hbm>> -> memref<128x128xf32, #tpu.memory_space<hbm>>
      %dma_start3A_93 = arith.constant 0 : i32
      %dma_start3A_94 = tpu.memref_slice %arg4[%add3A_90, %dma_start3A_93] : memref<819200x128xf32, #tpu.memory_space<hbm>> -> memref<128x128xf32, #tpu.memory_space<hbm>>
      tpu.enqueue_dma source(%arg7 : memref<128x128xf32, #tpu.memory_space<vmem>>) target(%dma_start3A_94 : memref<128x128xf32, #tpu.memory_space<hbm>>) target_semaphore(%arg17 : memref<!tpu.dma_semaphore, #tpu.memory_space<semaphore_mem>>)
      %add3A_95 = arith.constant 3 : i32
      %add3A_96 = arith.addi %add3A_81, %add3A_95 : i32
      %lt3A_97 = arith.constant 200 : i32
      %lt3A_98 = arith.cmpi slt, %add3A_96, %lt3A_97 : i32
      %convert_element_type3A_99 = arith.extui %lt3A_98 : i1 to i32
      %cond3A_100 = arith.constant 0 : i32
      %cond3A_101 = arith.cmpi ne, %convert_element_type3A_99, %cond3A_100 : i32
      scf.if %cond3A_101 {
        %ge3A = arith.constant 2 : i32
        %ge3A_174 = arith.cmpi sge, %add3A_81, %ge3A : i32
        %convert_element_type3A_175 = arith.extui %ge3A_174 : i1 to i32
        %cond3A_176 = arith.constant 0 : i32
        %cond3A_177 = arith.cmpi ne, %convert_element_type3A_175, %cond3A_176 : i32
        scf.if %cond3A_177 {
          %sub3A = arith.constant 2 : i32
          %sub3A_184 = arith.subi %add3A_81, %sub3A : i32
          %mul3A_185 = arith.constant 128 : i32
          %mul3A_186 = arith.muli %sub3A_184, %mul3A_185 : i32
          %add3A_187 = arith.addi %mul3A_2, %mul3A_186 : i32
          %dma_wait3A_188 = arith.constant 0 : i32
          %dma_wait3A_189 = tpu.memref_slice %arg4[%add3A_187, %dma_wait3A_188] : memref<819200x128xf32, #tpu.memory_space<hbm>> -> memref<128x128xf32, #tpu.memory_space<hbm>>
          %dma_wait3A_190 = arith.constant 0 : i32
          %dma_wait3A_191 = tpu.memref_slice %arg4[%add3A_187, %dma_wait3A_190] : memref<819200x128xf32, #tpu.memory_space<hbm>> -> memref<128x128xf32, #tpu.memory_space<hbm>>
          tpu.wait_dma2 semaphore(%arg20 : memref<!tpu.dma_semaphore, #tpu.memory_space<semaphore_mem>>) src(%arg10 : memref<128x128xf32, #tpu.memory_space<vmem>>) dst(%dma_wait3A_191 : memref<128x128xf32, #tpu.memory_space<hbm>>)
        } else {
        }
        %dma_start3A_178 = arith.constant 0 : i32
        %dma_start3A_179 = tpu.memref_slice %arg5[%add3A_96, %dma_start3A_178] : memref<200x128xi32, #tpu.memory_space<vmem>> -> memref<1x128xi32, #tpu.memory_space<vmem>>
        %dma_start3A_180 = tpu.memref_squeeze %dma_start3A_179 : memref<1x128xi32, #tpu.memory_space<vmem>> -> memref<128xi32, #tpu.memory_space<vmem>>
        %dma_start3A_181 = arith.constant 0 : i32
        %dma_start3A_182 = arith.constant 0 : i32
        %dma_start3A_183 = tpu.memref_slice %arg3[%dma_start3A_181, %dma_start3A_182] : memref<100000x128xf32, #tpu.memory_space<hbm>> -> memref<100000x128xf32, #tpu.memory_space<hbm>>
        tpu.enqueue_indirect_dma source(%dma_start3A_183 : memref<100000x128xf32, #tpu.memory_space<hbm>>) target(%arg10 : memref<128x128xf32, #tpu.memory_space<vmem>>) offsets(%dma_start3A_180 : memref<128xi32, #tpu.memory_space<vmem>>) semaphore(%arg15 : memref<!tpu.dma_semaphore, #tpu.memory_space<semaphore_mem>>)
      } else {
      }
      %mul3A_102 = arith.constant 5 : i32
      %mul3A_103 = arith.muli %scan3A_56, %mul3A_102 : i32
      %add3A_104 = arith.constant 2 : i32
      %add3A_105 = arith.addi %mul3A_103, %add3A_104 : i32
      %dma_wait3A_106 = arith.constant 0 : i32
      %dma_wait3A_107 = tpu.memref_slice %arg5[%add3A_105, %dma_wait3A_106] : memref<200x128xi32, #tpu.memory_space<vmem>> -> memref<1x128xi32, #tpu.memory_space<vmem>>
      %dma_wait3A_108 = tpu.memref_squeeze %dma_wait3A_107 : memref<1x128xi32, #tpu.memory_space<vmem>> -> memref<128xi32, #tpu.memory_space<vmem>>
      %dma_wait3A_109 = arith.constant 0 : i32
      %dma_wait3A_110 = arith.constant 0 : i32
      %dma_wait3A_111 = tpu.memref_slice %arg3[%dma_wait3A_109, %dma_wait3A_110] : memref<100000x128xf32, #tpu.memory_space<hbm>> -> memref<100000x128xf32, #tpu.memory_space<hbm>>
      tpu.wait_indirect_dma semaphore(%arg13 : memref<!tpu.dma_semaphore, #tpu.memory_space<semaphore_mem>>) src(%dma_wait3A_111 : memref<100000x128xf32, #tpu.memory_space<hbm>>) dst(%arg8 : memref<128x128xf32, #tpu.memory_space<vmem>>)
      %mul3A_112 = arith.constant 128 : i32
      %mul3A_113 = arith.muli %add3A_105, %mul3A_112 : i32
      %add3A_114 = arith.addi %mul3A_2, %mul3A_113 : i32
      %dma_start3A_115 = arith.constant 0 : i32
      %dma_start3A_116 = tpu.memref_slice %arg4[%add3A_114, %dma_start3A_115] : memref<819200x128xf32, #tpu.memory_space<hbm>> -> memref<128x128xf32, #tpu.memory_space<hbm>>
      %dma_start3A_117 = arith.constant 0 : i32
      %dma_start3A_118 = tpu.memref_slice %arg4[%add3A_114, %dma_start3A_117] : memref<819200x128xf32, #tpu.memory_space<hbm>> -> memref<128x128xf32, #tpu.memory_space<hbm>>
      tpu.enqueue_dma source(%arg8 : memref<128x128xf32, #tpu.memory_space<vmem>>) target(%dma_start3A_118 : memref<128x128xf32, #tpu.memory_space<hbm>>) target_semaphore(%arg18 : memref<!tpu.dma_semaphore, #tpu.memory_space<semaphore_mem>>)
      %add3A_119 = arith.constant 3 : i32
      %add3A_120 = arith.addi %add3A_105, %add3A_119 : i32
      %lt3A_121 = arith.constant 200 : i32
      %lt3A_122 = arith.cmpi slt, %add3A_120, %lt3A_121 : i32
      %convert_element_type3A_123 = arith.extui %lt3A_122 : i1 to i32
      %cond3A_124 = arith.constant 0 : i32
      %cond3A_125 = arith.cmpi ne, %convert_element_type3A_123, %cond3A_124 : i32
      scf.if %cond3A_125 {
        %ge3A = arith.constant 2 : i32
        %ge3A_174 = arith.cmpi sge, %add3A_105, %ge3A : i32
        %convert_element_type3A_175 = arith.extui %ge3A_174 : i1 to i32
        %cond3A_176 = arith.constant 0 : i32
        %cond3A_177 = arith.cmpi ne, %convert_element_type3A_175, %cond3A_176 : i32
        scf.if %cond3A_177 {
          %sub3A = arith.constant 2 : i32
          %sub3A_184 = arith.subi %add3A_105, %sub3A : i32
          %mul3A_185 = arith.constant 128 : i32
          %mul3A_186 = arith.muli %sub3A_184, %mul3A_185 : i32
          %add3A_187 = arith.addi %mul3A_2, %mul3A_186 : i32
          %dma_wait3A_188 = arith.constant 0 : i32
          %dma_wait3A_189 = tpu.memref_slice %arg4[%add3A_187, %dma_wait3A_188] : memref<819200x128xf32, #tpu.memory_space<hbm>> -> memref<128x128xf32, #tpu.memory_space<hbm>>
          %dma_wait3A_190 = arith.constant 0 : i32
          %dma_wait3A_191 = tpu.memref_slice %arg4[%add3A_187, %dma_wait3A_190] : memref<819200x128xf32, #tpu.memory_space<hbm>> -> memref<128x128xf32, #tpu.memory_space<hbm>>
          tpu.wait_dma2 semaphore(%arg16 : memref<!tpu.dma_semaphore, #tpu.memory_space<semaphore_mem>>) src(%arg6 : memref<128x128xf32, #tpu.memory_space<vmem>>) dst(%dma_wait3A_191 : memref<128x128xf32, #tpu.memory_space<hbm>>)
        } else {
        }
        %dma_start3A_178 = arith.constant 0 : i32
        %dma_start3A_179 = tpu.memref_slice %arg5[%add3A_120, %dma_start3A_178] : memref<200x128xi32, #tpu.memory_space<vmem>> -> memref<1x128xi32, #tpu.memory_space<vmem>>
        %dma_start3A_180 = tpu.memref_squeeze %dma_start3A_179 : memref<1x128xi32, #tpu.memory_space<vmem>> -> memref<128xi32, #tpu.memory_space<vmem>>
        %dma_start3A_181 = arith.constant 0 : i32
        %dma_start3A_182 = arith.constant 0 : i32
        %dma_start3A_183 = tpu.memref_slice %arg3[%dma_start3A_181, %dma_start3A_182] : memref<100000x128xf32, #tpu.memory_space<hbm>> -> memref<100000x128xf32, #tpu.memory_space<hbm>>
        tpu.enqueue_indirect_dma source(%dma_start3A_183 : memref<100000x128xf32, #tpu.memory_space<hbm>>) target(%arg6 : memref<128x128xf32, #tpu.memory_space<vmem>>) offsets(%dma_start3A_180 : memref<128xi32, #tpu.memory_space<vmem>>) semaphore(%arg11 : memref<!tpu.dma_semaphore, #tpu.memory_space<semaphore_mem>>)
      } else {
      }
      %mul3A_126 = arith.constant 5 : i32
      %mul3A_127 = arith.muli %scan3A_56, %mul3A_126 : i32
      %add3A_128 = arith.constant 3 : i32
      %add3A_129 = arith.addi %mul3A_127, %add3A_128 : i32
      %dma_wait3A_130 = arith.constant 0 : i32
      %dma_wait3A_131 = tpu.memref_slice %arg5[%add3A_129, %dma_wait3A_130] : memref<200x128xi32, #tpu.memory_space<vmem>> -> memref<1x128xi32, #tpu.memory_space<vmem>>
      %dma_wait3A_132 = tpu.memref_squeeze %dma_wait3A_131 : memref<1x128xi32, #tpu.memory_space<vmem>> -> memref<128xi32, #tpu.memory_space<vmem>>
      %dma_wait3A_133 = arith.constant 0 : i32
      %dma_wait3A_134 = arith.constant 0 : i32
      %dma_wait3A_135 = tpu.memref_slice %arg3[%dma_wait3A_133, %dma_wait3A_134] : memref<100000x128xf32, #tpu.memory_space<hbm>> -> memref<100000x128xf32, #tpu.memory_space<hbm>>
      tpu.wait_indirect_dma semaphore(%arg14 : memref<!tpu.dma_semaphore, #tpu.memory_space<semaphore_mem>>) src(%dma_wait3A_135 : memref<100000x128xf32, #tpu.memory_space<hbm>>) dst(%arg9 : memref<128x128xf32, #tpu.memory_space<vmem>>)
      %mul3A_136 = arith.constant 128 : i32
      %mul3A_137 = arith.muli %add3A_129, %mul3A_136 : i32
      %add3A_138 = arith.addi %mul3A_2, %mul3A_137 : i32
      %dma_start3A_139 = arith.constant 0 : i32
      %dma_start3A_140 = tpu.memref_slice %arg4[%add3A_138, %dma_start3A_139] : memref<819200x128xf32, #tpu.memory_space<hbm>> -> memref<128x128xf32, #tpu.memory_space<hbm>>
      %dma_start3A_141 = arith.constant 0 : i32
      %dma_start3A_142 = tpu.memref_slice %arg4[%add3A_138, %dma_start3A_141] : memref<819200x128xf32, #tpu.memory_space<hbm>> -> memref<128x128xf32, #tpu.memory_space<hbm>>
      tpu.enqueue_dma source(%arg9 : memref<128x128xf32, #tpu.memory_space<vmem>>) target(%dma_start3A_142 : memref<128x128xf32, #tpu.memory_space<hbm>>) target_semaphore(%arg19 : memref<!tpu.dma_semaphore, #tpu.memory_space<semaphore_mem>>)
      %add3A_143 = arith.constant 3 : i32
      %add3A_144 = arith.addi %add3A_129, %add3A_143 : i32
      %lt3A_145 = arith.constant 200 : i32
      %lt3A_146 = arith.cmpi slt, %add3A_144, %lt3A_145 : i32
      %convert_element_type3A_147 = arith.extui %lt3A_146 : i1 to i32
      %cond3A_148 = arith.constant 0 : i32
      %cond3A_149 = arith.cmpi ne, %convert_element_type3A_147, %cond3A_148 : i32
      scf.if %cond3A_149 {
        %ge3A = arith.constant 2 : i32
        %ge3A_174 = arith.cmpi sge, %add3A_129, %ge3A : i32
        %convert_element_type3A_175 = arith.extui %ge3A_174 : i1 to i32
        %cond3A_176 = arith.constant 0 : i32
        %cond3A_177 = arith.cmpi ne, %convert_element_type3A_175, %cond3A_176 : i32
        scf.if %cond3A_177 {
          %sub3A = arith.constant 2 : i32
          %sub3A_184 = arith.subi %add3A_129, %sub3A : i32
          %mul3A_185 = arith.constant 128 : i32
          %mul3A_186 = arith.muli %sub3A_184, %mul3A_185 : i32
          %add3A_187 = arith.addi %mul3A_2, %mul3A_186 : i32
          %dma_wait3A_188 = arith.constant 0 : i32
          %dma_wait3A_189 = tpu.memref_slice %arg4[%add3A_187, %dma_wait3A_188] : memref<819200x128xf32, #tpu.memory_space<hbm>> -> memref<128x128xf32, #tpu.memory_space<hbm>>
          %dma_wait3A_190 = arith.constant 0 : i32
          %dma_wait3A_191 = tpu.memref_slice %arg4[%add3A_187, %dma_wait3A_190] : memref<819200x128xf32, #tpu.memory_space<hbm>> -> memref<128x128xf32, #tpu.memory_space<hbm>>
          tpu.wait_dma2 semaphore(%arg17 : memref<!tpu.dma_semaphore, #tpu.memory_space<semaphore_mem>>) src(%arg7 : memref<128x128xf32, #tpu.memory_space<vmem>>) dst(%dma_wait3A_191 : memref<128x128xf32, #tpu.memory_space<hbm>>)
        } else {
        }
        %dma_start3A_178 = arith.constant 0 : i32
        %dma_start3A_179 = tpu.memref_slice %arg5[%add3A_144, %dma_start3A_178] : memref<200x128xi32, #tpu.memory_space<vmem>> -> memref<1x128xi32, #tpu.memory_space<vmem>>
        %dma_start3A_180 = tpu.memref_squeeze %dma_start3A_179 : memref<1x128xi32, #tpu.memory_space<vmem>> -> memref<128xi32, #tpu.memory_space<vmem>>
        %dma_start3A_181 = arith.constant 0 : i32
        %dma_start3A_182 = arith.constant 0 : i32
        %dma_start3A_183 = tpu.memref_slice %arg3[%dma_start3A_181, %dma_start3A_182] : memref<100000x128xf32, #tpu.memory_space<hbm>> -> memref<100000x128xf32, #tpu.memory_space<hbm>>
        tpu.enqueue_indirect_dma source(%dma_start3A_183 : memref<100000x128xf32, #tpu.memory_space<hbm>>) target(%arg7 : memref<128x128xf32, #tpu.memory_space<vmem>>) offsets(%dma_start3A_180 : memref<128xi32, #tpu.memory_space<vmem>>) semaphore(%arg12 : memref<!tpu.dma_semaphore, #tpu.memory_space<semaphore_mem>>)
      } else {
      }
      %mul3A_150 = arith.constant 5 : i32
      %mul3A_151 = arith.muli %scan3A_56, %mul3A_150 : i32
      %add3A_152 = arith.constant 4 : i32
      %add3A_153 = arith.addi %mul3A_151, %add3A_152 : i32
      %dma_wait3A_154 = arith.constant 0 : i32
      %dma_wait3A_155 = tpu.memref_slice %arg5[%add3A_153, %dma_wait3A_154] : memref<200x128xi32, #tpu.memory_space<vmem>> -> memref<1x128xi32, #tpu.memory_space<vmem>>
      %dma_wait3A_156 = tpu.memref_squeeze %dma_wait3A_155 : memref<1x128xi32, #tpu.memory_space<vmem>> -> memref<128xi32, #tpu.memory_space<vmem>>
      %dma_wait3A_157 = arith.constant 0 : i32
      %dma_wait3A_158 = arith.constant 0 : i32
      %dma_wait3A_159 = tpu.memref_slice %arg3[%dma_wait3A_157, %dma_wait3A_158] : memref<100000x128xf32, #tpu.memory_space<hbm>> -> memref<100000x128xf32, #tpu.memory_space<hbm>>
      tpu.wait_indirect_dma semaphore(%arg15 : memref<!tpu.dma_semaphore, #tpu.memory_space<semaphore_mem>>) src(%dma_wait3A_159 : memref<100000x128xf32, #tpu.memory_space<hbm>>) dst(%arg10 : memref<128x128xf32, #tpu.memory_space<vmem>>)
      %mul3A_160 = arith.constant 128 : i32
      %mul3A_161 = arith.muli %add3A_153, %mul3A_160 : i32
      %add3A_162 = arith.addi %mul3A_2, %mul3A_161 : i32
      %dma_start3A_163 = arith.constant 0 : i32
      %dma_start3A_164 = tpu.memref_slice %arg4[%add3A_162, %dma_start3A_163] : memref<819200x128xf32, #tpu.memory_space<hbm>> -> memref<128x128xf32, #tpu.memory_space<hbm>>
      %dma_start3A_165 = arith.constant 0 : i32
      %dma_start3A_166 = tpu.memref_slice %arg4[%add3A_162, %dma_start3A_165] : memref<819200x128xf32, #tpu.memory_space<hbm>> -> memref<128x128xf32, #tpu.memory_space<hbm>>
      tpu.enqueue_dma source(%arg10 : memref<128x128xf32, #tpu.memory_space<vmem>>) target(%dma_start3A_166 : memref<128x128xf32, #tpu.memory_space<hbm>>) target_semaphore(%arg20 : memref<!tpu.dma_semaphore, #tpu.memory_space<semaphore_mem>>)
      %add3A_167 = arith.constant 3 : i32
      %add3A_168 = arith.addi %add3A_153, %add3A_167 : i32
      %lt3A_169 = arith.constant 200 : i32
      %lt3A_170 = arith.cmpi slt, %add3A_168, %lt3A_169 : i32
      %convert_element_type3A_171 = arith.extui %lt3A_170 : i1 to i32
      %cond3A_172 = arith.constant 0 : i32
      %cond3A_173 = arith.cmpi ne, %convert_element_type3A_171, %cond3A_172 : i32
      scf.if %cond3A_173 {
        %ge3A = arith.constant 2 : i32
        %ge3A_174 = arith.cmpi sge, %add3A_153, %ge3A : i32
        %convert_element_type3A_175 = arith.extui %ge3A_174 : i1 to i32
        %cond3A_176 = arith.constant 0 : i32
        %cond3A_177 = arith.cmpi ne, %convert_element_type3A_175, %cond3A_176 : i32
        scf.if %cond3A_177 {
          %sub3A = arith.constant 2 : i32
          %sub3A_184 = arith.subi %add3A_153, %sub3A : i32
          %mul3A_185 = arith.constant 128 : i32
          %mul3A_186 = arith.muli %sub3A_184, %mul3A_185 : i32
          %add3A_187 = arith.addi %mul3A_2, %mul3A_186 : i32
          %dma_wait3A_188 = arith.constant 0 : i32
          %dma_wait3A_189 = tpu.memref_slice %arg4[%add3A_187, %dma_wait3A_188] : memref<819200x128xf32, #tpu.memory_space<hbm>> -> memref<128x128xf32, #tpu.memory_space<hbm>>
          %dma_wait3A_190 = arith.constant 0 : i32
          %dma_wait3A_191 = tpu.memref_slice %arg4[%add3A_187, %dma_wait3A_190] : memref<819200x128xf32, #tpu.memory_space<hbm>> -> memref<128x128xf32, #tpu.memory_space<hbm>>
          tpu.wait_dma2 semaphore(%arg18 : memref<!tpu.dma_semaphore, #tpu.memory_space<semaphore_mem>>) src(%arg8 : memref<128x128xf32, #tpu.memory_space<vmem>>) dst(%dma_wait3A_191 : memref<128x128xf32, #tpu.memory_space<hbm>>)
        } else {
        }
        %dma_start3A_178 = arith.constant 0 : i32
        %dma_start3A_179 = tpu.memref_slice %arg5[%add3A_168, %dma_start3A_178] : memref<200x128xi32, #tpu.memory_space<vmem>> -> memref<1x128xi32, #tpu.memory_space<vmem>>
        %dma_start3A_180 = tpu.memref_squeeze %dma_start3A_179 : memref<1x128xi32, #tpu.memory_space<vmem>> -> memref<128xi32, #tpu.memory_space<vmem>>
        %dma_start3A_181 = arith.constant 0 : i32
        %dma_start3A_182 = arith.constant 0 : i32
        %dma_start3A_183 = tpu.memref_slice %arg3[%dma_start3A_181, %dma_start3A_182] : memref<100000x128xf32, #tpu.memory_space<hbm>> -> memref<100000x128xf32, #tpu.memory_space<hbm>>
        tpu.enqueue_indirect_dma source(%dma_start3A_183 : memref<100000x128xf32, #tpu.memory_space<hbm>>) target(%arg8 : memref<128x128xf32, #tpu.memory_space<vmem>>) offsets(%dma_start3A_180 : memref<128xi32, #tpu.memory_space<vmem>>) semaphore(%arg13 : memref<!tpu.dma_semaphore, #tpu.memory_space<semaphore_mem>>)
      } else {
      }
    }
    %scan3A_26 = arith.constant 40 : i32
    %add3A_27 = arith.constant 24960 : i32
    %add3A_28 = arith.addi %mul3A_2, %add3A_27 : i32
    %dma_wait3A = arith.constant 0 : i32
    %dma_wait3A_29 = tpu.memref_slice %arg4[%add3A_28, %dma_wait3A] : memref<819200x128xf32, #tpu.memory_space<hbm>> -> memref<128x128xf32, #tpu.memory_space<hbm>>
    %dma_wait3A_30 = arith.constant 0 : i32
    %dma_wait3A_31 = tpu.memref_slice %arg4[%add3A_28, %dma_wait3A_30] : memref<819200x128xf32, #tpu.memory_space<hbm>> -> memref<128x128xf32, #tpu.memory_space<hbm>>
    tpu.wait_dma2 semaphore(%arg16 : memref<!tpu.dma_semaphore, #tpu.memory_space<semaphore_mem>>) src(%arg6 : memref<128x128xf32, #tpu.memory_space<vmem>>) dst(%dma_wait3A_31 : memref<128x128xf32, #tpu.memory_space<hbm>>)
    %add3A_32 = arith.constant 25088 : i32
    %add3A_33 = arith.addi %mul3A_2, %add3A_32 : i32
    %dma_wait3A_34 = arith.constant 0 : i32
    %dma_wait3A_35 = tpu.memref_slice %arg4[%add3A_33, %dma_wait3A_34] : memref<819200x128xf32, #tpu.memory_space<hbm>> -> memref<128x128xf32, #tpu.memory_space<hbm>>
    %dma_wait3A_36 = arith.constant 0 : i32
    %dma_wait3A_37 = tpu.memref_slice %arg4[%add3A_33, %dma_wait3A_36] : memref<819200x128xf32, #tpu.memory_space<hbm>> -> memref<128x128xf32, #tpu.memory_space<hbm>>
    tpu.wait_dma2 semaphore(%arg17 : memref<!tpu.dma_semaphore, #tpu.memory_space<semaphore_mem>>) src(%arg7 : memref<128x128xf32, #tpu.memory_space<vmem>>) dst(%dma_wait3A_37 : memref<128x128xf32, #tpu.memory_space<hbm>>)
    %add3A_38 = arith.constant 25216 : i32
    %add3A_39 = arith.addi %mul3A_2, %add3A_38 : i32
    %dma_wait3A_40 = arith.constant 0 : i32
    %dma_wait3A_41 = tpu.memref_slice %arg4[%add3A_39, %dma_wait3A_40] : memref<819200x128xf32, #tpu.memory_space<hbm>> -> memref<128x128xf32, #tpu.memory_space<hbm>>
    %dma_wait3A_42 = arith.constant 0 : i32
    %dma_wait3A_43 = tpu.memref_slice %arg4[%add3A_39, %dma_wait3A_42] : memref<819200x128xf32, #tpu.memory_space<hbm>> -> memref<128x128xf32, #tpu.memory_space<hbm>>
    tpu.wait_dma2 semaphore(%arg18 : memref<!tpu.dma_semaphore, #tpu.memory_space<semaphore_mem>>) src(%arg8 : memref<128x128xf32, #tpu.memory_space<vmem>>) dst(%dma_wait3A_43 : memref<128x128xf32, #tpu.memory_space<hbm>>)
    %add3A_44 = arith.constant 25344 : i32
    %add3A_45 = arith.addi %mul3A_2, %add3A_44 : i32
    %dma_wait3A_46 = arith.constant 0 : i32
    %dma_wait3A_47 = tpu.memref_slice %arg4[%add3A_45, %dma_wait3A_46] : memref<819200x128xf32, #tpu.memory_space<hbm>> -> memref<128x128xf32, #tpu.memory_space<hbm>>
    %dma_wait3A_48 = arith.constant 0 : i32
    %dma_wait3A_49 = tpu.memref_slice %arg4[%add3A_45, %dma_wait3A_48] : memref<819200x128xf32, #tpu.memory_space<hbm>> -> memref<128x128xf32, #tpu.memory_space<hbm>>
    tpu.wait_dma2 semaphore(%arg19 : memref<!tpu.dma_semaphore, #tpu.memory_space<semaphore_mem>>) src(%arg9 : memref<128x128xf32, #tpu.memory_space<vmem>>) dst(%dma_wait3A_49 : memref<128x128xf32, #tpu.memory_space<hbm>>)
    %add3A_50 = arith.constant 25472 : i32
    %add3A_51 = arith.addi %mul3A_2, %add3A_50 : i32
    %dma_wait3A_52 = arith.constant 0 : i32
    %dma_wait3A_53 = tpu.memref_slice %arg4[%add3A_51, %dma_wait3A_52] : memref<819200x128xf32, #tpu.memory_space<hbm>> -> memref<128x128xf32, #tpu.memory_space<hbm>>
    %dma_wait3A_54 = arith.constant 0 : i32
    %dma_wait3A_55 = tpu.memref_slice %arg4[%add3A_51, %dma_wait3A_54] : memref<819200x128xf32, #tpu.memory_space<hbm>> -> memref<128x128xf32, #tpu.memory_space<hbm>>
    tpu.wait_dma2 semaphore(%arg20 : memref<!tpu.dma_semaphore, #tpu.memory_space<semaphore_mem>>) src(%arg10 : memref<128x128xf32, #tpu.memory_space<vmem>>) dst(%dma_wait3A_55 : memref<128x128xf32, #tpu.memory_space<hbm>>)
    return
  }
}

</mosaic_0001>

<sc_bundles>
// kernel: kernel.3.cloned.1.call-start
scs
__scs_entry_jumppad:
0x0: {  	(pc) =	sbr.rel $0x88, $3  }
0x1: {  	(tag) =	ssettag $0x0;
	lr =	simm.s32 $0x1  }
0x2: {  	[smem:$0x3F9F] =	sst lr;
	_ =	strace $0xD0000000  }
0x3: {  	_ = 	snop  }
0x4: {  	_ = 	snop  }
0x5: {  	_ = 	snop  }
0x6: {  	_ = 	snop  }
0x7: {  	_ = 	snop  }
__scs_overlays_trampoline_lowered:
0x8: {  	[smem:$0x3FAE] =	sst s0  }
0x9: {  	[smem:$0x3FAF] =	sst s1  }
0xa: {  	[smem:$0x3FB0] =	sst s2  }
0xb: {  	[smem:$0x3FB1] =	sst s3  }
0xc: {  	[smem:$0x3FB2] =	sst s4  }
0xd: {  	[smem:$0x3FB3] =	sst s5  }
0xe: {  	[smem:$0x3FB4] =	sst s6  }
0xf: {  	[smem:$0x3FB5] =	sst s7  }
0x10: {  	[smem:$0x3FB6] =	sst s8  }
0x11: {  	[smem:$0x3FB7] =	sst s9;
	s0 =	simm.s32 @!p0 $0x0  }
0x12: {  	s1 =	sld [smem:$0x3F9D];
	s0 =	simm.s32 @p0 $0x1  }
0x13: {  	[smem:$0x3FB8] =	sst s0;
	s0 =	simm.s32 @!p1 $0x0  }
0x14: {  	s2 =	sld [smem:$0x3F9C];
	s0 =	simm.s32 @p1 $0x1  }
0x15: {  	[smem:$0x3FB9] =	sst s0;
	s0 =	simm.s32 @!p2 $0x0  }
0x16: {  	s3 =	sld [smem:$0x3FDB];
	s0 =	simm.s32 @p2 $0x1  }
0x17: {  	s4 =	simm.s32 $0x1BF5;
	[smem:$0x3FBB] =	sst s0  }
0x18: {  	s0 =	sld [smem:$0x3F9E];
	_ =	swait.ge [sflag:s4], $0x0  }
0x19: {  	s7 =	sld [smem:$0x3F9F]  }
0x1a: {  	s8 =	sadd.s32 $0xFFFFE003, lr  }
0x1b: {  	s9 =	sadd.s32 $0xFFFFFEF7, lr;
	s5 =	simm.s32 $0xFFFFFFFF;
	p2 =	slt.u32 s8, $0xFFFFF086  }
0x1c: {  	p1 =	slt.u32 s9, $0xF7A;
	s5 =	simm.s32 @!p2 $0x0  }
0x1d: {  	s5 =	simm.s32 @p1 $0x1;
	p0 =	seq.s32 s7, s2  }
0x1e: {  	s7 =	smul.u32 @!p0 $0xF7A, s2;
	p2 =	seq.s32 @!p0 s5, $0x0  }
0x1f: {  	s9 =	smul.u32 $0xF7A, s1;
	s8 =	simm.s32 @!p0 $0x1BF5;
	p2 =	por !p2, p0  }
0x20: {  	[sflag:s8] =	ssyncset.s32 @!p0 $0xFFFFF086;
	s6 =	sadd.s32 @!p0 s3, s7;
	s7 =	simm.s32 @!p0 $0x108  }
0x21: {  	s3 =	sadd.s32 s3, s9;
	s6 =	sadd.s32 @!p0 $0x88, s6;
	s7 =	simm.s32 @p2 $0x1082  }
0x22: {  	[simem:s7], [sflag:s8] =	dma.local @!p0 [hbm:s6], $0xF7A  }
0x23: {  	s9 =	sor.u32 $0xD0000000, s2;
	s6 =	simm.s32 $0x108;
	_ =	swait.ge @!p0 [sflag:s8], $0x0  }
0x24: {  	s3 =	sadd.s32 $0x88, s3;
	s6 =	simm.s32 @!p1 $0x1082;
	[sflag:s4] =	ssyncset.s32 $0xFFFFF086  }
0x25: {  	[simem:s6], [sflag:s4] =	dma.local [hbm:s3], $0xF7A  }
0x26: {  	[smem:$0x3F9F] =	sst s1;
	(tag) =	ssettag s2;
	_ =	strace s9  }
0x27: {  	s1 =	sld [smem:$0x3FAF]  }
0x28: {  	s2 =	sld [smem:$0x3FB0]  }
0x29: {  	s4 =	sld [smem:$0x3FB2]  }
0x2a: {  	p0 =	seq.s32 s5, $0x0;
	s5 =	sld [smem:$0x3FB3]  }
0x2b: {  	s6 =	sld [smem:$0x3FB4]  }
0x2c: {  	s7 =	sld [smem:$0x3FB5]  }
0x2d: {  	s3 =	simm.s32 $0x108;
	s8 =	sld [smem:$0x3FB6]  }
0x2e: {  	s3 =	simm.s32 @!p0 $0x1082;
	s9 =	sld [smem:$0x3FB7]  }
0x2f: {  	lr =	sadd.s32 s0, s3;
	s0 =	sld [smem:$0x3FAE]  }
0x30: {  	s3 =	sld [smem:$0x3FB1]  }
0x31: {  	[smem:$0x3FBA] =	sst s10  }
0x32: {  	s10 =	sld [smem:$0x3FB8];
	_ =	sdelay $0x3  }
0x33: {  	p0 =	seq.s32 s10, $0x1;
	s10 =	sld [smem:$0x3FBA];
	_ =	sdelay $0x3  }
0x34: {  	[smem:$0x3FBA] =	sst s10  }
0x35: {  	s10 =	sld [smem:$0x3FB9];
	_ =	sdelay $0x3  }
0x36: {  	p1 =	seq.s32 s10, $0x1;
	s10 =	sld [smem:$0x3FBA];
	_ =	sdelay $0x3  }
0x37: {  	[smem:$0x3FBA] =	sst s10  }
0x38: {  	s10 =	sld [smem:$0x3FBB]  }
0x39: {  	_ = 	snop;
	(pc) =	sbr.ind lr, $3  }
0x3a: {  	_ = 	snop  }
0x3b: {  	_ = 	snop  }
0x3c: {  	p2 =	seq.s32 s10, $0x1;
	s10 =	sld [smem:$0x3FBA]  }
0x3d: {  	_ =	shalt  }
0x3e: {  	_ =	shalt  }
0x3f: {  	_ =	shalt  }
0x40: {  	_ =	shalt  }
0x41: {  	_ =	shalt  }
0x42: {  	_ =	shalt  }
0x43: {  	_ =	shalt  }
0x44: {  	_ =	shalt  }
0x45: {  	_ =	shalt  }
0x46: {  	_ =	shalt  }
0x47: {  	_ =	shalt  }
0x48: {  	_ =	shalt  }
0x49: {  	_ =	shalt  }
0x4a: {  	_ =	shalt  }
0x4b: {  	_ =	shalt  }
0x4c: {  	_ =	shalt  }
0x4d: {  	_ =	shalt  }
0x4e: {  	_ =	shalt  }
0x4f: {  	_ =	shalt  }
0x50: {  	_ =	shalt  }
0x51: {  	_ =	shalt  }
0x52: {  	_ =	shalt  }
0x53: {  	_ =	shalt  }
0x54: {  	_ =	shalt  }
0x55: {  	_ =	shalt  }
0x56: {  	_ =	shalt  }
0x57: {  	_ =	shalt  }
0x58: {  	_ =	shalt  }
0x59: {  	_ =	shalt  }
0x5a: {  	_ =	shalt  }
0x5b: {  	_ =	shalt  }
0x5c: {  	_ =	shalt  }
0x5d: {  	_ =	shalt  }
0x5e: {  	_ =	shalt  }
0x5f: {  	_ =	shalt  }
0x60: {  	_ =	shalt  }
0x61: {  	_ =	shalt  }
0x62: {  	_ =	shalt  }
0x63: {  	_ =	shalt  }
0x64: {  	_ =	shalt  }
0x65: {  	_ =	shalt  }
0x66: {  	_ =	shalt  }
0x67: {  	_ =	shalt  }
0x68: {  	_ =	shalt  }
0x69: {  	_ =	shalt  }
0x6a: {  	_ =	shalt  }
0x6b: {  	_ =	shalt  }
0x6c: {  	_ =	shalt  }
0x6d: {  	_ =	shalt  }
0x6e: {  	_ =	shalt  }
0x6f: {  	_ =	shalt  }
0x70: {  	_ =	shalt  }
0x71: {  	_ =	shalt  }
0x72: {  	_ =	shalt  }
0x73: {  	_ =	shalt  }
0x74: {  	_ =	shalt  }
0x75: {  	_ =	shalt  }
0x76: {  	_ =	shalt  }
0x77: {  	_ =	shalt  }
0x78: {  	_ =	shalt  }
0x79: {  	_ =	shalt  }
0x7a: {  	_ =	shalt  }
0x7b: {  	_ =	shalt  }
0x7c: {  	_ =	shalt  }
0x7d: {  	_ =	shalt  }
0x7e: {  	_ =	shalt  }
0x7f: {  	_ =	shalt  }
0x80: {  	_ =	shalt  }
0x81: {  	_ =	shalt  }
0x82: {  	_ =	shalt  }
0x83: {  	_ =	shalt  }
0x84: {  	_ =	shalt  }
0x85: {  	_ =	shalt  }
0x86: {  	_ =	shalt  }
0x87: {  	_ =	shalt  }
.Lfunc_end0:
.L_simem_size_0:
called_computation_lowered:
.L_overlay_start_0:
0x88: {  	s2 =	sld [smem:$0x3FD9]  }
0x89: {  	s3 =	sld [smem:$0x3FFE];
	_ =	sdelay $0x1  }
0x8a: {  	s1 =	srdreg.scid  }
0x8b: {  	s0 =	sand.u32 $0x1, s1  }
0x8c: {  	s17 =	sshll.u32 s0, $0xA;
	s2 =	sadd.s32 s3, s2  }
0x8d: {  	s2 =	sadd.s32 s2, s17  }
0x8e: {  	[smem:$0x3FC6] =	sst s2  }
0x8f: {  	_ = 	snop  }
0x90: {  	s2 =	sld [smem:$0x3FC8]  }
0x91: {  	s18 =	sld [smem:$0x3FD0];
	(tm) =	ssettm $0x1  }
0x92: {  	s4 =	sld [smem:$0x3FFB];
	_ =	sdelay $0x3  }
0x93: {  	_ =	strace s4  }
0x94: {  	s4 =	sld [smem:$0x3FFC];
	_ =	sdelay $0x3  }
0x95: {  	_ =	strace s4  }
0x96: {  	s4 =	sld [smem:$0x3FFD];
	_ =	sdelay $0x3  }
0x97: {  	_ =	strace s4  }
0x98: {  	_ =	strace $0x8FFFFFFF  }
0x99: {  	s19 =	sld [smem:$0x3FDB];
	_ =	sdelay $0x1  }
0x9a: {  	s5 =	simm.s32 $_scs_section_size  }
0x9b: {  	s6 =	simm.s32 $_size__tile_overlayer_lowered;
	s7 =	simm.s32 $_tile_overlayer_lowered  }
0x9c: {  	s22 =	simm.s32 $0x1BFF;
	s21 =	sshll.u32 s7, $0x1;
	s4 =	sadd.s32 s5, s19  }
0x9d: {  	s8 =	simm.s32 $0x0;
	s20 =	sshll.u32 s6, $0x1;
	s6 =	sadd.s32 s21, s4  }
0x9e: {  	[timem:s8], [sflag:s22] =	dma.local [hbm:s6], s20  }
0x9f: {  	_ =	swait.ge [sflag:s22], s20  }
0xa0: {  	s5 =	ssub.s32 $0x0, s20;
	[sflag:s22] =	ssyncset.done $0x0  }
0xa1: {  	[sflag:s22] =	ssyncadd.s32 s5;
	_ =	sdelay $0x1  }
0xa2: {  	s23 =	simm.s32 $0x1B8B  }
0xa3: {  	_ =	swait.ge [sflag:s23], $0x1  }
0xa4: {  	[sflag:s23] =	ssyncset.done $0x0  }
0xa5: {  	s25 =	simm.s32 $0x1B8E;
	s24 =	sld [smem:$0x3FFE];
	[sflag:s23] =	ssyncadd.s32 $0xFFFFFFFF  }
0xa6: {  	s26 =	simm.s32 $execute0_lowered;
	[smem:$0x3FD2] =	sst s25  }
0xa7: {  	s6 =	sshll.u32 s26, $0x1;
	_ =	strace $0x80000046;
	[dreg:$0x1] =	wrdreg $0xFFFFFFFF  }
0xa8: {  	s28 =	simm.s32 $_size_execute0_lowered;
	s4 =	sadd.s32 s4, s6;
	[dreg:$0x0] =	wrdreg $0x0  }
0xa9: {  	s6 =	sshll.u32 s28, $0x1;
	[dreg:$0x2] =	wrdreg s4  }
0xaa: {  	[dreg:$0x3] =	wrdreg s6  }
0xab: {  	[dreg:$0x4] =	wrdreg $0xC0  }
0xac: {  	_ =	task [dreg:s8], $0x5FFFF  }
0xad: {  	[dreg:$0x1] =	wrdreg $0xFFFFFFFF  }
0xae: {  	[dreg:$0x0] =	wrdreg $0x60  }
0xaf: {  	[dreg:$0x2] =	wrdreg s24  }
0xb0: {  	[dreg:$0x3] =	wrdreg s2  }
0xb1: {  	[dreg:$0x4] =	wrdreg s18  }
0xb2: {  	[dreg:$0x5] =	wrdreg $0x9  }
0xb3: {  	_ =	task.clear_ibuf [dreg:s8], $0x6FFFF;
	_ =	strace $0x90000046  }
0xb4: {  	s29 =	simm.s32 $0x9;
	_ =	strace $0x80000048  }
0xb5: {  	_ =	swait.ge [sflag:s29], $0x1  }
0xb6: {  	[sflag:s29] =	ssyncadd.s32 $0xFFFFFFFF  }
0xb7: {  	_ =	strace $0x90000048  }
0xb8: {  	_ =	sfence  }
0xb9: {  	s30 =	sld [smem:$0x0];
	_ =	sdelay $0x2  }
0xba: {  	s31 =	sshll.u32 s1, $0xD;
	s1 =	sshrl.u32 s1, $0x2  }
0xbb: {  	s3 =	sand.u32 $0x4000, s31;
	s1 =	sadd.s32 s1, s30  }
0xbc: {  	s0 =	sor.u32 s3, s0;
	s1 =	sshll.u32 s1, $0x11  }
0xbd: {  	s0 =	sor.u32 s1, s0  }
0xbe: {  	s0 =	sadd.s32 $0x8F2B, s0  }
0xbf: {  	[sflag:s0] =	ssyncadd.remote.s32 $0x1  }
0xc0: {  	_ =	sfence.sel $0xFFFF  }
0xc1: {  	[dreg:$0x0] =	wrdreg $0xFFFFFFFF;
	(pc) =	sbr.abs _section_cstart, $3  }
0xc2: {  	[dreg:$0x1] =	wrdreg $0xFFFFFFFF  }
0xc3: {  	_ =	task.clear_ibuf [dreg:s8], $0x2FFFF;
	_ =	strace $0x9FFFFFFF  }
0xc4: {  	(tm) =	ssettm $0x7FFFFFFF  }
0xc5: {  	_ =	shalt  }
tec
execute0_lowered:
.L_overlay_start_1:
0x0: {  	(tag) =	ssettag $0x1  }
0x1: {  	s0 =	rddreg [dreg:$0x0];
	s1 =	srdreg.scid  }
0x2: {  	s9 =	stileid.u32;
	s2 =	rddreg [dreg:$0x1]  }
0x3: {  	s4 =	rddreg [dreg:$0x2];
	s11 =	simm.s32 $0xB;
	s12 =	simm.s32 $0x80  }
0x4: {  	s13 =	simm.s32 $0x6400;
	s14 =	simm.s32 $0xA400;
	s16 =	simm.s32 $0xE400  }
0x5: {  	s28 =	simm.s32 $0x9;
	s29 =	simm.s32 $0xA;
	s6 =	smul.u32 $0x640000, s9  }
0x6: {  	s1 =	sand.u32 $0x1, s1;
	s3 =	sshll.u32 s9, $0x1;
	s18 =	smul.u32 $0xC8000, s9  }
0x7: {  	s30 =	simm.s32 $0x0;
	s5 =	sor.u32 s1, s3;
	s8 =	smul.u32 $0x320000, s1  }
0x8: {  	s3 =	simm.s32 $0x0;
	s7 =	ssub.s32 $0x2, s1;
	s19 =	smul.u32 $0x64000, s1  }
0x9: {  	s5 =	smul.u32 $0x6400, s5;
	[smem:$0x7FF] =	sst s3;
	s17 =	sshrl.u32 s7, $0x1  }
0xa: {  	s21 =	sadd.s32 s18, s4;
	s18 =	simm.s32 $0x12400;
	s6 =	sadd.s32 s8, s6  }
0xb: {  	_ =	strace $0x80000047;
	s5 =	sshrl.u32 s5, $0x3;
	s20 =	sor.u32 $0x10000, s6  }
0xc: {  	s23 =	sor.u32 $0xC000, s6;
	s24 =	sor.u32 $0x8000, s6;
	s25 =	sor.u32 $0x4000, s6  }
0xd: {  	s0 =	sadd.s32 s5, s0;
	s5 =	ssub.s32 s7, s17;
	s1 =	sshrl.u32 s20, $0x3  }
0xe: {  	s17 =	simm.s32 $0x1;
	s20 =	simm.s32 $0x16400;
	s0 =	sadd.s32 $0x400, s0  }
0xf: {  	s5 =	smax.u32 s5, $0x1;
	s22 =	sadd.s32 s1, s4;
	[dreg:$0x4] =	wrdreg s0  }
0x10: {  	s1 =	sshrl.u32 s24, $0x3;
	s24 =	simm.s32 $0x6;
	[dreg:$0x5] =	wrdreg s5  }
0x11: {  	s0 =	sadd.s32 s19, s21;
	[dreg:$0x7] =	wrdreg s22;
	s5 =	sshrl.u32 s25, $0x3  }
.Ltmp0:
0x12: {  	s26 =	sadd.s32 s1, s4;
	s19 =	simm.s32 $0x2;
	(pc) =	sbr.rel .LBB2_1-.Ltmp0, $4  }
0x13: {  	s21 =	simm.s32 $0x3;
	s22 =	simm.s32 $0x4;
	[dreg:$0x6] =	wrdreg s0  }
0x14: {  	s0 =	sshrl.u32 s23, $0x3;
	[dreg:$0x9] =	wrdreg s26;
	s31 =	sadd.s32 s5, s4  }
0x15: {  	s25 =	simm.s32 $0x7;
	s0 =	sadd.s32 s0, s4;
	[dreg:$0xa] =	wrdreg s31  }
0x16: {  	s23 =	simm.s32 $0x5;
	s26 =	simm.s32 $0x8;
	[dreg:$0x8] =	wrdreg s0  }
.LBB2_4:
0x17: {  	_ =	swait.ge [sflag:s24], $0x4000  }
0x18: {  	[sflag:s24] =	ssyncset.done $0x0  }
0x19: {  	[sflag:s24] =	ssyncadd.s32 $0xFFFFC000  }
0x1a: {  	_ =	swait.ge [sflag:s25], $0x4000  }
0x1b: {  	[sflag:s25] =	ssyncset.done $0x0  }
0x1c: {  	[sflag:s25] =	ssyncadd.s32 $0xFFFFC000  }
0x1d: {  	_ =	swait.ge [sflag:s26], $0x4000  }
0x1e: {  	[sflag:s26] =	ssyncset.done $0x0  }
0x1f: {  	[sflag:s26] =	ssyncadd.s32 $0xFFFFC000  }
0x20: {  	_ =	swait.ge [sflag:s28], $0x4000  }
0x21: {  	[sflag:s28] =	ssyncset.done $0x0  }
0x22: {  	[sflag:s28] =	ssyncadd.s32 $0xFFFFC000  }
0x23: {  	_ =	swait.ge [sflag:s29], $0x4000  }
0x24: {  	s30 =	sadd.s32 $0x1, s30;
	s0 =	rddreg [dreg:$0x5]  }
0x25: {  	p0 =	sne.s32 s30, s0  }
.Ltmp1:
0x26: {  	_ = 	snop;
	(pc) =	sbr.rel @!p0 .LBB2_5-.Ltmp1, $3  }
0x27: {  	_ =	sdelay $0x1  }
0x28: {  	[sflag:s29] =	ssyncset.done $0x0  }
0x29: {  	[sflag:s29] =	ssyncadd.s32 $0xFFFFC000  }
.LBB2_1:
0x2a: {  	s0 =	rddreg [dreg:$0x4]  }
0x2b: {  	[tilespmem:s3], [sflag:$0xB] =	stream.linear.gather [hbm4b:s0+s3], $0x6400, $0x38;
	[tilespmem:$0x1A400] =	vst v63  }
0x2c: {  	_ =	swait.ge [sflag:s11], $0x6400  }
0x2d: {  	s31 =	rddreg [dreg:$0xa]  }
0x2e: {  	[sflag:s11] =	ssyncset.done $0x0;
	s9 =	rddreg [dreg:$0x9]  }
0x2f: {  	s8 =	rddreg [dreg:$0x8];
	[sflag:s11] =	ssyncadd.s32 $0xFFFF9C00  }
0x30: {  	[tilespmem:s13], [sflag:$0x1] =	stream.indirect.gather [hbm4b:s2+s12], $0x80, s3, s12, $0xb8;
	[tilespmem:$0x1A400] =	vst v63  }
0x31: {  	s7 =	rddreg [dreg:$0x7]  }
0x32: {  	[tilespmem:s14], [sflag:$0x2] =	stream.indirect.gather [hbm4b:s2+s12], $0x80, s12, s12, $0xb8;
	[tilespmem:$0x1A400] =	vst v63  }
0x33: {  	s15 =	simm.s32 $0x100;
	s5 =	simm.s32 $0x0;
	s6 =	rddreg [dreg:$0x6]  }
0x34: {  	[tilespmem:s16], [sflag:$0x3] =	stream.indirect.gather [hbm4b:s2+s12], $0x80, s15, s12, $0xb8;
	[tilespmem:$0x1A400] =	vst v63  }
.LBB2_2:
0x35: {  	_ =	swait.ge [sflag:s17], $0x4000  }
0x36: {  	p0 =	seq.s32 s5, $0x0;
	[sflag:s17] =	ssyncset.done $0x0  }
0x37: {  	s15 =	simm.s32 @!p0 $0x9;
	[sflag:s17] =	ssyncadd.s32 $0xFFFFC000  }
0x38: {  	[hbm4b:s6+s3] =	stream.linear.scatter [tilespmem:s13], [sflag:$0x6], $0x4000, $0x38;
	[tilespmem:$0x1A400] =	vst v63  }
0x39: {  	_ =	swait.ge @!p0 [sflag:s15], $0x4000  }
0x3a: {  	s4 =	sshra.s32 s5, $0x2;
	[sflag:s15] =	ssyncset.done @!p0 $0x0  }
0x3b: {  	s1 =	sadd.s32 $0x180, s4;
	[sflag:s15] =	ssyncadd.s32 @!p0 $0xFFFFC000  }
0x3c: {  	[tilespmem:s18], [sflag:$0x4] =	stream.indirect.gather [hbm4b:s2+s12], $0x80, s1, s12, $0xb8;
	[tilespmem:$0x1A400] =	vst v63  }
0x3d: {  	_ =	swait.ge [sflag:s19], $0x4000  }
0x3e: {  	[sflag:s19] =	ssyncset.done $0x0  }
0x3f: {  	s15 =	simm.s32 @!p0 $0xA;
	[sflag:s19] =	ssyncadd.s32 $0xFFFFC000  }
0x40: {  	[hbm4b:s31+s3] =	stream.linear.scatter [tilespmem:s14], [sflag:$0x7], $0x4000, $0x38;
	[tilespmem:$0x1A400] =	vst v63  }
0x41: {  	_ =	swait.ge @!p0 [sflag:s15], $0x4000  }
0x42: {  	[sflag:s15] =	ssyncset.done @!p0 $0x0  }
0x43: {  	s10 =	sadd.s32 $0x200, s4;
	[sflag:s15] =	ssyncadd.s32 @!p0 $0xFFFFC000  }
0x44: {  	[tilespmem:s20], [sflag:$0x5] =	stream.indirect.gather [hbm4b:s2+s12], $0x80, s10, s12, $0xb8;
	[tilespmem:$0x1A400] =	vst v63  }
0x45: {  	_ =	swait.ge [sflag:s21], $0x4000  }
0x46: {  	p0 =	seq.s32 s5, $0x18600;
	[sflag:s21] =	ssyncset.done $0x0  }
0x47: {  	s15 =	simm.s32 @!p0 $0x6;
	[sflag:s21] =	ssyncadd.s32 $0xFFFFC000  }
0x48: {  	[hbm4b:s9+s3] =	stream.linear.scatter [tilespmem:s16], [sflag:$0x8], $0x4000, $0x38;
	[tilespmem:$0x1A400] =	vst v63  }
0x49: {  	_ =	swait.ge @!p0 [sflag:s15], $0x4000  }
0x4a: {  	[sflag:s15] =	ssyncset.done @!p0 $0x0  }
0x4b: {  	[sflag:s15] =	ssyncadd.s32 @!p0 $0xFFFFC000;
	s15 =	sshra.s32 @!p0 s5, $0x2  }
0x4c: {  	s1 =	simm.s32 @!p0 $0x80;
	s10 =	simm.s32 @!p0 $0x6400;
	s0 =	sadd.s32 @!p0 $0x280, s15  }
0x4d: {  	[tilespmem:s10], [sflag:$0x1] =	stream.indirect.gather @!p0 [hbm4b:s2+s1], $0x80, s0, s1, $0xb8;
	[tilespmem:$0x1A400] =	vst v63  }
0x4e: {  	_ =	swait.ge [sflag:s22], $0x4000  }
0x4f: {  	[sflag:s22] =	ssyncset.done $0x0  }
0x50: {  	s0 =	simm.s32 @!p0 $0x7;
	[sflag:s22] =	ssyncadd.s32 $0xFFFFC000  }
0x51: {  	[hbm4b:s8+s3] =	stream.linear.scatter [tilespmem:s18], [sflag:$0x9], $0x4000, $0x38;
	[tilespmem:$0x1A400] =	vst v63  }
0x52: {  	_ =	swait.ge @!p0 [sflag:s0], $0x4000  }
0x53: {  	[sflag:s0] =	ssyncset.done @!p0 $0x0  }
0x54: {  	s10 =	simm.s32 @!p0 $0xA400;
	[sflag:s0] =	ssyncadd.s32 @!p0 $0xFFFFC000;
	s0 =	sadd.s32 @!p0 $0x300, s15  }
0x55: {  	[tilespmem:s10], [sflag:$0x2] =	stream.indirect.gather @!p0 [hbm4b:s2+s1], $0x80, s0, s1, $0xb8;
	[tilespmem:$0x1A400] =	vst v63  }
.Ltmp2:
0x56: {  	_ = 	snop;
	(pc) =	sbr.rel @p0 .LBB2_4-.Ltmp2, $4  }
0x57: {  	_ =	swait.ge [sflag:s23], $0x4000  }
0x58: {  	[sflag:s23] =	ssyncset.done $0x0  }
0x59: {  	[sflag:s23] =	ssyncadd.s32 $0xFFFFC000  }
0x5a: {  	[hbm4b:s7+s3] =	stream.linear.scatter [tilespmem:s20], [sflag:$0xA], $0x4000, $0x38;
	[tilespmem:$0x1A400] =	vst v63  }
.Ltmp3:
0x5b: {  	_ =	swait.ge [sflag:s26], $0x4000;
	(pc) =	sbr.rel .LBB2_2-.Ltmp3, $4  }
0x5c: {  	s0 =	sadd.s32 $0x380, s4;
	s5 =	sadd.s32 $0xA00, s5;
	s6 =	sadd.s32 $0x2800, s6  }
0x5d: {  	s7 =	sadd.s32 $0x2800, s7;
	s8 =	sadd.s32 $0x2800, s8;
	[sflag:s26] =	ssyncset.done $0x0  }
0x5e: {  	s9 =	sadd.s32 $0x2800, s9;
	s31 =	sadd.s32 $0x2800, s31;
	[sflag:s26] =	ssyncadd.s32 $0xFFFFC000  }
0x5f: {  	[tilespmem:s16], [sflag:$0x3] =	stream.indirect.gather [hbm4b:s2+s12], $0x80, s0, s12, $0xb8;
	[tilespmem:$0x1A400] =	vst v63  }
.LBB2_5:
0x60: {  	_ =	sfence.sel $0x180000  }
0x61: {  	[bflag:$0x0] =	sbarrier.arrive $0xFFFF  }
0x62: {  	_ =	strace $0x90000047  }
0x63: {  	s0 =	stileid.u32;
	[bflag:$0x2] =	sbarrier.arrive $0xFFFF  }
0x64: {  	p0 =	sne.s32 s0, $0x0;
	s0 =	rddreg [dreg:$0x3]  }
0x65: {  	s0 =	sadd.s32 @!p0 $0x100000, s0  }
0x66: {  	[sflag:s0] =	ssyncadd.tile.s32 @!p0 $0x1;
	_ =	shalt  }
.Lfunc_end2:
_tile_overlayer_lowered:
.L_overlay_start_2:
0x67: {  	(tag) =	ssettag $0x2  }
0x68: {  	s0 =	rddreg [dreg:$0x0];
	s2 =	stileid.u32  }
0x69: {  	s1 =	rddreg [dreg:$0x1];
	p0 =	sne.s32 s2, $0x0  }
0x6a: {  	s3 =	rddreg [dreg:$0x2];
	[bflag:$0x3] =	sbarrier.arrive $0xFFFF;
	s2 =	simm.s32 @!p0 $0x1C0B  }
0x6b: {  	[timem:s3], [sflag:s2] =	dma.local @!p0 [hbm:s0], s1  }
0x6c: {  	s0 =	simm.s32 @!p0 $0xB  }
0x6d: {  	_ =	swait.ge @!p0 [sflag:s0], s1  }
0x6e: {  	s1 =	ssub.s32 @!p0 $0x0, s1;
	[sflag:s0] =	ssyncset.done @!p0 $0x0  }
0x6f: {  	[sflag:s0] =	ssyncadd.s32 @!p0 s1  }
0x70: {  	[bflag:$0x3] =	sbarrier.arrive $0xFFFF  }
0x71: {  	_ =	shalt  }

</sc_bundles>
